<compile_context>
chip_gen: v7x
topology: tpu7x:2x2x1
jax: 0.10.2.dev20260603
libtpu: 0.0.44.dev20260713+nightly
codegen_flags: <defaults>
</compile_context>

<pallas_src>
import functools

import jax
import jax.numpy as jnp
from jax import lax
from jax.experimental import pallas as pl
from jax.experimental.pallas import tpu as pltpu
from jax.experimental.pallas import tpu_sc as plsc

_IDX_CHUNK = 128


def _make_gather(V, D, nrows, NC, NS):
    NW = NC * NS
    bpw = nrows // NW
    ch = bpw // _IDX_CHUNK
    mesh = plsc.VectorSubcoreMesh(core_axis_name="c", subcore_axis_name="s")

    @functools.partial(
        pl.kernel,
        mesh=mesh,
        out_type=jax.ShapeDtypeStruct((nrows, D), jnp.float32),
        scratch_types=[
            pltpu.VMEM((bpw,), jnp.int32),
            pltpu.VMEM((bpw, D), jnp.float32),
        ]
        + [pltpu.SemaphoreType.DMA] * ch
        + [pltpu.SemaphoreType.DMA],
        compiler_params=pltpu.CompilerParams(use_tc_tiling_on_sc=True),
    )
    def gather_kernel(idx_hbm, table_hbm, out_hbm, idx_v, rows_v, *sems):
        gsems, osem = sems[:ch], sems[ch]
        wid = lax.axis_index("s") * NC + lax.axis_index("c")
        pltpu.sync_copy(idx_hbm.at[pl.ds(wid * bpw, bpw)], idx_v)
        copies = [
            pltpu.async_copy(
                table_hbm.at[idx_v.at[pl.ds(j * _IDX_CHUNK, _IDX_CHUNK)]],
                rows_v.at[pl.ds(j * _IDX_CHUNK, _IDX_CHUNK)],
                gsems[j],
            )
            for j in range(ch)
        ]
        out_copies = []
        for j in range(ch):
            copies[j].wait()
            out_copies.append(
                pltpu.async_copy(
                    rows_v.at[pl.ds(j * _IDX_CHUNK, _IDX_CHUNK)],
                    out_hbm.at[pl.ds(wid * bpw + j * _IDX_CHUNK, _IDX_CHUNK)],
                    osem,
                )
            )
        for c in out_copies:
            c.wait()

    return gather_kernel


def _mlp_body(x_ref, pu_ref, eu_ref, w1_ref, b1_ref, w2_ref, b2_ref,
              w3t_ref, b3_ref, wor_ref, bo_ref, out_ref):
    D = x_ref.shape[1]
    bf = jnp.bfloat16
    u = pu_ref[...] + eu_ref[...]
    w1 = w1_ref[...]
    c1 = (jnp.dot(u, w1[:D], preferred_element_type=jnp.float32)
          + b1_ref[...]).astype(bf)
    h = jnp.dot(x_ref[...].astype(bf), w1[D:].astype(bf),
                preferred_element_type=jnp.float32).astype(bf)
    h = jnp.maximum(h + c1, bf(0.0))
    h = jnp.dot(h, w2_ref[...].astype(bf),
                preferred_element_type=jnp.float32).astype(bf)
    h = jnp.maximum(h + b2_ref[...].astype(bf), bf(0.0))
    h = lax.dot_general(h, w3t_ref[...].astype(bf), (((1,), (1,)), ((), ())),
                        preferred_element_type=jnp.float32).astype(bf)
    h = jnp.maximum(h + b3_ref[...].astype(bf), bf(0.0))
    logits_t = lax.dot_general(wor_ref[...].astype(bf), h,
                               (((1,), (1,)), ((), ())),
                               preferred_element_type=jnp.float32)
    lg = logits_t.reshape(out_ref.shape) + bo_ref[...]
    out_ref[...] = jax.nn.sigmoid(lg)


def _mlp(x, Pu, Eu, W1, b1, W2, b2, W3t, b3, Wor, bo, tile):
    B, D = x.shape
    grid = B // tile
    vec = lambda n: pl.BlockSpec((n,), lambda i: (0,))
    full = lambda shape: pl.BlockSpec(shape, lambda i: (0, 0))
    return pl.pallas_call(
        _mlp_body,
        grid=(grid,),
        in_specs=[
            pl.BlockSpec((tile, D), lambda i: (i, 0)),
            full(Pu.shape), full(Eu.shape), full(W1.shape), vec(b1.shape[0]),
            full(W2.shape), vec(b2.shape[0]),
            full(W3t.shape), vec(b3.shape[0]),
            full(Wor.shape), vec(bo.shape[0]),
        ],
        out_specs=pl.BlockSpec((tile // 128, 128), lambda i: (i, 0)),
        out_shape=jax.ShapeDtypeStruct((B // 128, 128), jnp.float32),
        compiler_params=pltpu.CompilerParams(
            dimension_semantics=("arbitrary",),
        ),
    )(x, Pu, Eu, W1, b1, W2, b2, W3t, b3, Wor, bo)


def kernel(item_indices, Pu, Eu, Item, W1, b1, W2, b2, W3, b3, Wo, bo):
    B = item_indices.shape[0]
    V, D = Item.shape
    info = plsc.get_sparse_core_info()
    NC, NS = info.num_cores, info.num_subcores
    idx = item_indices.astype(jnp.int32)
    W3t = W3.T
    Wor = Wo.reshape(1, -1)
    g = _make_gather(V, D, B, NC, NS)(idx, Item)
    out = _mlp(g, Pu, Eu, W1, b1, W2, b2, W3t, b3, Wor, bo, tile=8192)
    return out.reshape(B, 1)

# --- scband reference (transcript-rebuilt; emitter-appended) ---
"""Pipeline reference for scband-client-1005022347889 (READ-ONLY COPY).

The authoritative reference and input builder live on the scoring server;
editing this copy changes nothing except your own understanding.
"""

import jax, jax.numpy as jnp
import numpy as np

B = 16384
V = 100000
D = 128
LAYERS = [256, 256, 128, 64]


def setup_inputs(seed: int = 0) -> dict:
    key = jax.random.key(seed)
    ks = jax.random.split(key, 16)
    item_indices = jax.random.randint(ks[0], (B,), 0, V)
    Pu = jax.random.normal(ks[1], (1, D), dtype=jnp.float32) * 0.02
    Eu = jax.random.normal(ks[2], (1, D), dtype=jnp.float32) * 0.02
    Item = jax.random.normal(ks[3], (V, D), dtype=jnp.float32) * 0.02
    W1 = jax.random.normal(ks[4], (LAYERS[0], LAYERS[1]), dtype=jnp.float32) * (1.0 / np.sqrt(LAYERS[0]))
    b1 = jnp.zeros((LAYERS[1],), dtype=jnp.float32)
    W2 = jax.random.normal(ks[5], (LAYERS[1], LAYERS[2]), dtype=jnp.float32) * (1.0 / np.sqrt(LAYERS[1]))
    b2 = jnp.zeros((LAYERS[2],), dtype=jnp.float32)
    W3 = jax.random.normal(ks[6], (LAYERS[2], LAYERS[3]), dtype=jnp.float32) * (1.0 / np.sqrt(LAYERS[2]))
    b3 = jnp.zeros((LAYERS[3],), dtype=jnp.float32)
    Wo = jax.random.normal(ks[7], (LAYERS[3], 1), dtype=jnp.float32) * (1.0 / np.sqrt(LAYERS[3]))
    bo = jnp.zeros((1,), dtype=jnp.float32)
    return {"item_indices": item_indices, "Pu": Pu, "Eu": Eu, "Item": Item,
            "W1": W1, "b1": b1, "W2": W2, "b2": b2, "W3": W3, "b3": b3,
            "Wo": Wo, "bo": bo}


def reference(item_indices, Pu, Eu, Item, W1, b1, W2, b2, W3, b3, Wo, bo):
    n = item_indices.shape[0]
    zidx = jnp.zeros((n,), dtype=jnp.int32)
    puser_embedding = jnp.take(Pu, zidx, axis=0)
    euser_embedding = jnp.take(Eu, zidx, axis=0)
    item_embedding = jnp.take(Item, item_indices, axis=0)
    vector = jnp.concatenate([euser_embedding + puser_embedding, item_embedding], axis=-1)
    vector = jax.nn.relu(vector @ W1 + b1)
    vector = jax.nn.relu(vector @ W2 + b2)
    vector = jax.nn.relu(vector @ W3 + b3)
    logits = vector @ Wo + bo
    rating = jax.nn.sigmoid(logits)
    return rating

if __name__ == "__main__":
    import jax
    _d = setup_inputs()
    print(jax.jit(kernel)(*tuple(_d.values())))

</pallas_src>

<mosaic_0001>
#map = affine_map<(d0, d1) -> (0)>
#map1 = affine_map<(d0, d1) -> (0, 0)>
module attributes {stable_mosaic.version = 14 : i64} {
  func.func @gather_kernel(%arg0: i32, %arg1: i32, %arg2: memref<16384xi32, #tpu.memory_space<hbm>>, %arg3: memref<100000x128xf32, #tpu.memory_space<hbm>>, %arg4: memref<16384x128xf32, #tpu.memory_space<hbm>>, %arg5: memref<512xi32, #tpu.memory_space<vmem>>, %arg6: memref<512x128xf32, #tpu.memory_space<vmem>>, %arg7: memref<!tpu.dma_semaphore, #tpu.memory_space<semaphore_mem>>, %arg8: memref<!tpu.dma_semaphore, #tpu.memory_space<semaphore_mem>>, %arg9: memref<!tpu.dma_semaphore, #tpu.memory_space<semaphore_mem>>, %arg10: memref<!tpu.dma_semaphore, #tpu.memory_space<semaphore_mem>>, %arg11: memref<!tpu.dma_semaphore, #tpu.memory_space<semaphore_mem>>) attributes {dimension_semantics = [#tpu.dimension_semantics<core_parallel>, #tpu.dimension_semantics<subcore_parallel>], iteration_bounds = array<i64: 2, 16>, scalar_prefetch = 0 : i64, scratch_operands = 7 : i64, tpu.core_type = #tpu.core_type<sc_vector_subcore>, window_params = [{transform_indices = #map}, {transform_indices = #map1}, {transform_indices = #map1}]} {
    %mul3A = arith.constant 2 : i32
    %mul3A_0 = arith.muli %arg1, %mul3A : i32
    %add3A = arith.addi %mul3A_0, %arg0 : i32
    %mul3A_1 = arith.constant 512 : i32
    %mul3A_2 = arith.muli %add3A, %mul3A_1 : i32
    "tpu.region"() ({
      %run_scoped3A = tpu.sem_alloc : memref<!tpu.dma_semaphore, #tpu.memory_space<semaphore_mem>>
      %dma_start3A_161 = tpu.memref_slice %arg2[%mul3A_2] : memref<16384xi32, #tpu.memory_space<hbm>> -> memref<512xi32, #tpu.memory_space<hbm>>
      %dma_start3A_162 = tpu.memref_slice %arg2[%mul3A_2] : memref<16384xi32, #tpu.memory_space<hbm>> -> memref<512xi32, #tpu.memory_space<hbm>>
      tpu.enqueue_dma source(%dma_start3A_162 : memref<512xi32, #tpu.memory_space<hbm>>) target(%arg5 : memref<512xi32, #tpu.memory_space<vmem>>) target_semaphore(%run_scoped3A : memref<!tpu.dma_semaphore, #tpu.memory_space<semaphore_mem>>)
      %dma_wait3A_163 = tpu.memref_slice %arg2[%mul3A_2] : memref<16384xi32, #tpu.memory_space<hbm>> -> memref<512xi32, #tpu.memory_space<hbm>>
      %dma_wait3A_164 = tpu.memref_slice %arg2[%mul3A_2] : memref<16384xi32, #tpu.memory_space<hbm>> -> memref<512xi32, #tpu.memory_space<hbm>>
      tpu.wait_dma2 semaphore(%run_scoped3A : memref<!tpu.dma_semaphore, #tpu.memory_space<semaphore_mem>>) src(%dma_wait3A_164 : memref<512xi32, #tpu.memory_space<hbm>>) dst(%arg5 : memref<512xi32, #tpu.memory_space<vmem>>)
      tpu.yield
    }) : () -> ()
    %dma_start3A = arith.constant 0 : i32
    %dma_start3A_3 = arith.constant 0 : i32
    %dma_start3A_4 = tpu.memref_slice %arg6[%dma_start3A, %dma_start3A_3] : memref<512x128xf32, #tpu.memory_space<vmem>> -> memref<128x128xf32, #tpu.memory_space<vmem>>
    %dma_start3A_5 = arith.constant 0 : i32
    %dma_start3A_6 = tpu.memref_slice %arg5[%dma_start3A_5] : memref<512xi32, #tpu.memory_space<vmem>> -> memref<128xi32, #tpu.memory_space<vmem>>
    %dma_start3A_7 = arith.constant 0 : i32
    %dma_start3A_8 = arith.constant 0 : i32
    %dma_start3A_9 = tpu.memref_slice %arg3[%dma_start3A_7, %dma_start3A_8] : memref<100000x128xf32, #tpu.memory_space<hbm>> -> memref<100000x128xf32, #tpu.memory_space<hbm>>
    tpu.enqueue_indirect_dma source(%dma_start3A_9 : memref<100000x128xf32, #tpu.memory_space<hbm>>) target(%dma_start3A_4 : memref<128x128xf32, #tpu.memory_space<vmem>>) offsets(%dma_start3A_6 : memref<128xi32, #tpu.memory_space<vmem>>) semaphore(%arg7 : memref<!tpu.dma_semaphore, #tpu.memory_space<semaphore_mem>>)
    %dma_start3A_10 = arith.constant 128 : i32
    %dma_start3A_11 = arith.constant 0 : i32
    %dma_start3A_12 = tpu.memref_slice %arg6[%dma_start3A_10, %dma_start3A_11] : memref<512x128xf32, #tpu.memory_space<vmem>> -> memref<128x128xf32, #tpu.memory_space<vmem>>
    %dma_start3A_13 = arith.constant 128 : i32
    %dma_start3A_14 = tpu.memref_slice %arg5[%dma_start3A_13] : memref<512xi32, #tpu.memory_space<vmem>> -> memref<128xi32, #tpu.memory_space<vmem>>
    %dma_start3A_15 = arith.constant 0 : i32
    %dma_start3A_16 = arith.constant 0 : i32
    %dma_start3A_17 = tpu.memref_slice %arg3[%dma_start3A_15, %dma_start3A_16] : memref<100000x128xf32, #tpu.memory_space<hbm>> -> memref<100000x128xf32, #tpu.memory_space<hbm>>
    tpu.enqueue_indirect_dma source(%dma_start3A_17 : memref<100000x128xf32, #tpu.memory_space<hbm>>) target(%dma_start3A_12 : memref<128x128xf32, #tpu.memory_space<vmem>>) offsets(%dma_start3A_14 : memref<128xi32, #tpu.memory_space<vmem>>) semaphore(%arg8 : memref<!tpu.dma_semaphore, #tpu.memory_space<semaphore_mem>>)
    %dma_start3A_18 = arith.constant 256 : i32
    %dma_start3A_19 = arith.constant 0 : i32
    %dma_start3A_20 = tpu.memref_slice %arg6[%dma_start3A_18, %dma_start3A_19] : memref<512x128xf32, #tpu.memory_space<vmem>> -> memref<128x128xf32, #tpu.memory_space<vmem>>
    %dma_start3A_21 = arith.constant 256 : i32
    %dma_start3A_22 = tpu.memref_slice %arg5[%dma_start3A_21] : memref<512xi32, #tpu.memory_space<vmem>> -> memref<128xi32, #tpu.memory_space<vmem>>
    %dma_start3A_23 = arith.constant 0 : i32
    %dma_start3A_24 = arith.constant 0 : i32
    %dma_start3A_25 = tpu.memref_slice %arg3[%dma_start3A_23, %dma_start3A_24] : memref<100000x128xf32, #tpu.memory_space<hbm>> -> memref<100000x128xf32, #tpu.memory_space<hbm>>
    tpu.enqueue_indirect_dma source(%dma_start3A_25 : memref<100000x128xf32, #tpu.memory_space<hbm>>) target(%dma_start3A_20 : memref<128x128xf32, #tpu.memory_space<vmem>>) offsets(%dma_start3A_22 : memref<128xi32, #tpu.memory_space<vmem>>) semaphore(%arg9 : memref<!tpu.dma_semaphore, #tpu.memory_space<semaphore_mem>>)
    %dma_start3A_26 = arith.constant 384 : i32
    %dma_start3A_27 = arith.constant 0 : i32
    %dma_start3A_28 = tpu.memref_slice %arg6[%dma_start3A_26, %dma_start3A_27] : memref<512x128xf32, #tpu.memory_space<vmem>> -> memref<128x128xf32, #tpu.memory_space<vmem>>
    %dma_start3A_29 = arith.constant 384 : i32
    %dma_start3A_30 = tpu.memref_slice %arg5[%dma_start3A_29] : memref<512xi32, #tpu.memory_space<vmem>> -> memref<128xi32, #tpu.memory_space<vmem>>
    %dma_start3A_31 = arith.constant 0 : i32
    %dma_start3A_32 = arith.constant 0 : i32
    %dma_start3A_33 = tpu.memref_slice %arg3[%dma_start3A_31, %dma_start3A_32] : memref<100000x128xf32, #tpu.memory_space<hbm>> -> memref<100000x128xf32, #tpu.memory_space<hbm>>
    tpu.enqueue_indirect_dma source(%dma_start3A_33 : memref<100000x128xf32, #tpu.memory_space<hbm>>) target(%dma_start3A_28 : memref<128x128xf32, #tpu.memory_space<vmem>>) offsets(%dma_start3A_30 : memref<128xi32, #tpu.memory_space<vmem>>) semaphore(%arg10 : memref<!tpu.dma_semaphore, #tpu.memory_space<semaphore_mem>>)
    %dma_wait3A = arith.constant 0 : i32
    %dma_wait3A_34 = arith.constant 0 : i32
    %dma_wait3A_35 = tpu.memref_slice %arg6[%dma_wait3A, %dma_wait3A_34] : memref<512x128xf32, #tpu.memory_space<vmem>> -> memref<128x128xf32, #tpu.memory_space<vmem>>
    %dma_wait3A_36 = arith.constant 0 : i32
    %dma_wait3A_37 = tpu.memref_slice %arg5[%dma_wait3A_36] : memref<512xi32, #tpu.memory_space<vmem>> -> memref<128xi32, #tpu.memory_space<vmem>>
    %dma_wait3A_38 = arith.constant 0 : i32
    %dma_wait3A_39 = arith.constant 0 : i32
    %dma_wait3A_40 = tpu.memref_slice %arg3[%dma_wait3A_38, %dma_wait3A_39] : memref<100000x128xf32, #tpu.memory_space<hbm>> -> memref<100000x128xf32, #tpu.memory_space<hbm>>
    tpu.wait_indirect_dma semaphore(%arg7 : memref<!tpu.dma_semaphore, #tpu.memory_space<semaphore_mem>>) src(%dma_wait3A_40 : memref<100000x128xf32, #tpu.memory_space<hbm>>) dst(%dma_wait3A_35 : memref<128x128xf32, #tpu.memory_space<vmem>>)
    %mul3A_41 = arith.constant 512 : i32
    %mul3A_42 = arith.muli %add3A, %mul3A_41 : i32
    %add3A_43 = arith.constant 0 : i32
    %add3A_44 = arith.addi %mul3A_42, %add3A_43 : i32
    %dma_start3A_45 = arith.constant 0 : i32
    %dma_start3A_46 = arith.constant 0 : i32
    %dma_start3A_47 = tpu.memref_slice %arg6[%dma_start3A_45, %dma_start3A_46] : memref<512x128xf32, #tpu.memory_space<vmem>> -> memref<128x128xf32, #tpu.memory_space<vmem>>
    %dma_start3A_48 = arith.constant 0 : i32
    %dma_start3A_49 = tpu.memref_slice %arg4[%add3A_44, %dma_start3A_48] : memref<16384x128xf32, #tpu.memory_space<hbm>> -> memref<128x128xf32, #tpu.memory_space<hbm>>
    %dma_start3A_50 = arith.constant 0 : i32
    %dma_start3A_51 = tpu.memref_slice %arg4[%add3A_44, %dma_start3A_50] : memref<16384x128xf32, #tpu.memory_space<hbm>> -> memref<128x128xf32, #tpu.memory_space<hbm>>
    %dma_start3A_52 = arith.constant 0 : i32
    %dma_start3A_53 = arith.constant 0 : i32
    %dma_start3A_54 = tpu.memref_slice %arg6[%dma_start3A_52, %dma_start3A_53] : memref<512x128xf32, #tpu.memory_space<vmem>> -> memref<128x128xf32, #tpu.memory_space<vmem>>
    tpu.enqueue_dma source(%dma_start3A_54 : memref<128x128xf32, #tpu.memory_space<vmem>>) target(%dma_start3A_51 : memref<128x128xf32, #tpu.memory_space<hbm>>) target_semaphore(%arg11 : memref<!tpu.dma_semaphore, #tpu.memory_space<semaphore_mem>>)
    %dma_wait3A_55 = arith.constant 128 : i32
    %dma_wait3A_56 = arith.constant 0 : i32
    %dma_wait3A_57 = tpu.memref_slice %arg6[%dma_wait3A_55, %dma_wait3A_56] : memref<512x128xf32, #tpu.memory_space<vmem>> -> memref<128x128xf32, #tpu.memory_space<vmem>>
    %dma_wait3A_58 = arith.constant 128 : i32
    %dma_wait3A_59 = tpu.memref_slice %arg5[%dma_wait3A_58] : memref<512xi32, #tpu.memory_space<vmem>> -> memref<128xi32, #tpu.memory_space<vmem>>
    %dma_wait3A_60 = arith.constant 0 : i32
    %dma_wait3A_61 = arith.constant 0 : i32
    %dma_wait3A_62 = tpu.memref_slice %arg3[%dma_wait3A_60, %dma_wait3A_61] : memref<100000x128xf32, #tpu.memory_space<hbm>> -> memref<100000x128xf32, #tpu.memory_space<hbm>>
    tpu.wait_indirect_dma semaphore(%arg8 : memref<!tpu.dma_semaphore, #tpu.memory_space<semaphore_mem>>) src(%dma_wait3A_62 : memref<100000x128xf32, #tpu.memory_space<hbm>>) dst(%dma_wait3A_57 : memref<128x128xf32, #tpu.memory_space<vmem>>)
    %mul3A_63 = arith.constant 512 : i32
    %mul3A_64 = arith.muli %add3A, %mul3A_63 : i32
    %add3A_65 = arith.constant 128 : i32
    %add3A_66 = arith.addi %mul3A_64, %add3A_65 : i32
    %dma_start3A_67 = arith.constant 128 : i32
    %dma_start3A_68 = arith.constant 0 : i32
    %dma_start3A_69 = tpu.memref_slice %arg6[%dma_start3A_67, %dma_start3A_68] : memref<512x128xf32, #tpu.memory_space<vmem>> -> memref<128x128xf32, #tpu.memory_space<vmem>>
    %dma_start3A_70 = arith.constant 0 : i32
    %dma_start3A_71 = tpu.memref_slice %arg4[%add3A_66, %dma_start3A_70] : memref<16384x128xf32, #tpu.memory_space<hbm>> -> memref<128x128xf32, #tpu.memory_space<hbm>>
    %dma_start3A_72 = arith.constant 0 : i32
    %dma_start3A_73 = tpu.memref_slice %arg4[%add3A_66, %dma_start3A_72] : memref<16384x128xf32, #tpu.memory_space<hbm>> -> memref<128x128xf32, #tpu.memory_space<hbm>>
    %dma_start3A_74 = arith.constant 128 : i32
    %dma_start3A_75 = arith.constant 0 : i32
    %dma_start3A_76 = tpu.memref_slice %arg6[%dma_start3A_74, %dma_start3A_75] : memref<512x128xf32, #tpu.memory_space<vmem>> -> memref<128x128xf32, #tpu.memory_space<vmem>>
    tpu.enqueue_dma source(%dma_start3A_76 : memref<128x128xf32, #tpu.memory_space<vmem>>) target(%dma_start3A_73 : memref<128x128xf32, #tpu.memory_space<hbm>>) target_semaphore(%arg11 : memref<!tpu.dma_semaphore, #tpu.memory_space<semaphore_mem>>)
    %dma_wait3A_77 = arith.constant 256 : i32
    %dma_wait3A_78 = arith.constant 0 : i32
    %dma_wait3A_79 = tpu.memref_slice %arg6[%dma_wait3A_77, %dma_wait3A_78] : memref<512x128xf32, #tpu.memory_space<vmem>> -> memref<128x128xf32, #tpu.memory_space<vmem>>
    %dma_wait3A_80 = arith.constant 256 : i32
    %dma_wait3A_81 = tpu.memref_slice %arg5[%dma_wait3A_80] : memref<512xi32, #tpu.memory_space<vmem>> -> memref<128xi32, #tpu.memory_space<vmem>>
    %dma_wait3A_82 = arith.constant 0 : i32
    %dma_wait3A_83 = arith.constant 0 : i32
    %dma_wait3A_84 = tpu.memref_slice %arg3[%dma_wait3A_82, %dma_wait3A_83] : memref<100000x128xf32, #tpu.memory_space<hbm>> -> memref<100000x128xf32, #tpu.memory_space<hbm>>
    tpu.wait_indirect_dma semaphore(%arg9 : memref<!tpu.dma_semaphore, #tpu.memory_space<semaphore_mem>>) src(%dma_wait3A_84 : memref<100000x128xf32, #tpu.memory_space<hbm>>) dst(%dma_wait3A_79 : memref<128x128xf32, #tpu.memory_space<vmem>>)
    %mul3A_85 = arith.constant 512 : i32
    %mul3A_86 = arith.muli %add3A, %mul3A_85 : i32
    %add3A_87 = arith.constant 256 : i32
    %add3A_88 = arith.addi %mul3A_86, %add3A_87 : i32
    %dma_start3A_89 = arith.constant 256 : i32
    %dma_start3A_90 = arith.constant 0 : i32
    %dma_start3A_91 = tpu.memref_slice %arg6[%dma_start3A_89, %dma_start3A_90] : memref<512x128xf32, #tpu.memory_space<vmem>> -> memref<128x128xf32, #tpu.memory_space<vmem>>
    %dma_start3A_92 = arith.constant 0 : i32
    %dma_start3A_93 = tpu.memref_slice %arg4[%add3A_88, %dma_start3A_92] : memref<16384x128xf32, #tpu.memory_space<hbm>> -> memref<128x128xf32, #tpu.memory_space<hbm>>
    %dma_start3A_94 = arith.constant 0 : i32
    %dma_start3A_95 = tpu.memref_slice %arg4[%add3A_88, %dma_start3A_94] : memref<16384x128xf32, #tpu.memory_space<hbm>> -> memref<128x128xf32, #tpu.memory_space<hbm>>
    %dma_start3A_96 = arith.constant 256 : i32
    %dma_start3A_97 = arith.constant 0 : i32
    %dma_start3A_98 = tpu.memref_slice %arg6[%dma_start3A_96, %dma_start3A_97] : memref<512x128xf32, #tpu.memory_space<vmem>> -> memref<128x128xf32, #tpu.memory_space<vmem>>
    tpu.enqueue_dma source(%dma_start3A_98 : memref<128x128xf32, #tpu.memory_space<vmem>>) target(%dma_start3A_95 : memref<128x128xf32, #tpu.memory_space<hbm>>) target_semaphore(%arg11 : memref<!tpu.dma_semaphore, #tpu.memory_space<semaphore_mem>>)
    %dma_wait3A_99 = arith.constant 384 : i32
    %dma_wait3A_100 = arith.constant 0 : i32
    %dma_wait3A_101 = tpu.memref_slice %arg6[%dma_wait3A_99, %dma_wait3A_100] : memref<512x128xf32, #tpu.memory_space<vmem>> -> memref<128x128xf32, #tpu.memory_space<vmem>>
    %dma_wait3A_102 = arith.constant 384 : i32
    %dma_wait3A_103 = tpu.memref_slice %arg5[%dma_wait3A_102] : memref<512xi32, #tpu.memory_space<vmem>> -> memref<128xi32, #tpu.memory_space<vmem>>
    %dma_wait3A_104 = arith.constant 0 : i32
    %dma_wait3A_105 = arith.constant 0 : i32
    %dma_wait3A_106 = tpu.memref_slice %arg3[%dma_wait3A_104, %dma_wait3A_105] : memref<100000x128xf32, #tpu.memory_space<hbm>> -> memref<100000x128xf32, #tpu.memory_space<hbm>>
    tpu.wait_indirect_dma semaphore(%arg10 : memref<!tpu.dma_semaphore, #tpu.memory_space<semaphore_mem>>) src(%dma_wait3A_106 : memref<100000x128xf32, #tpu.memory_space<hbm>>) dst(%dma_wait3A_101 : memref<128x128xf32, #tpu.memory_space<vmem>>)
    %mul3A_107 = arith.constant 512 : i32
    %mul3A_108 = arith.muli %add3A, %mul3A_107 : i32
    %add3A_109 = arith.constant 384 : i32
    %add3A_110 = arith.addi %mul3A_108, %add3A_109 : i32
    %dma_start3A_111 = arith.constant 384 : i32
    %dma_start3A_112 = arith.constant 0 : i32
    %dma_start3A_113 = tpu.memref_slice %arg6[%dma_start3A_111, %dma_start3A_112] : memref<512x128xf32, #tpu.memory_space<vmem>> -> memref<128x128xf32, #tpu.memory_space<vmem>>
    %dma_start3A_114 = arith.constant 0 : i32
    %dma_start3A_115 = tpu.memref_slice %arg4[%add3A_110, %dma_start3A_114] : memref<16384x128xf32, #tpu.memory_space<hbm>> -> memref<128x128xf32, #tpu.memory_space<hbm>>
    %dma_start3A_116 = arith.constant 0 : i32
    %dma_start3A_117 = tpu.memref_slice %arg4[%add3A_110, %dma_start3A_116] : memref<16384x128xf32, #tpu.memory_space<hbm>> -> memref<128x128xf32, #tpu.memory_space<hbm>>
    %dma_start3A_118 = arith.constant 384 : i32
    %dma_start3A_119 = arith.constant 0 : i32
    %dma_start3A_120 = tpu.memref_slice %arg6[%dma_start3A_118, %dma_start3A_119] : memref<512x128xf32, #tpu.memory_space<vmem>> -> memref<128x128xf32, #tpu.memory_space<vmem>>
    tpu.enqueue_dma source(%dma_start3A_120 : memref<128x128xf32, #tpu.memory_space<vmem>>) target(%dma_start3A_117 : memref<128x128xf32, #tpu.memory_space<hbm>>) target_semaphore(%arg11 : memref<!tpu.dma_semaphore, #tpu.memory_space<semaphore_mem>>)
    %dma_wait3A_121 = arith.constant 0 : i32
    %dma_wait3A_122 = arith.constant 0 : i32
    %dma_wait3A_123 = tpu.memref_slice %arg6[%dma_wait3A_121, %dma_wait3A_122] : memref<512x128xf32, #tpu.memory_space<vmem>> -> memref<128x128xf32, #tpu.memory_space<vmem>>
    %dma_wait3A_124 = arith.constant 0 : i32
    %dma_wait3A_125 = tpu.memref_slice %arg4[%add3A_44, %dma_wait3A_124] : memref<16384x128xf32, #tpu.memory_space<hbm>> -> memref<128x128xf32, #tpu.memory_space<hbm>>
    %dma_wait3A_126 = arith.constant 0 : i32
    %dma_wait3A_127 = tpu.memref_slice %arg4[%add3A_44, %dma_wait3A_126] : memref<16384x128xf32, #tpu.memory_space<hbm>> -> memref<128x128xf32, #tpu.memory_space<hbm>>
    %dma_wait3A_128 = arith.constant 0 : i32
    %dma_wait3A_129 = arith.constant 0 : i32
    %dma_wait3A_130 = tpu.memref_slice %arg6[%dma_wait3A_128, %dma_wait3A_129] : memref<512x128xf32, #tpu.memory_space<vmem>> -> memref<128x128xf32, #tpu.memory_space<vmem>>
    tpu.wait_dma2 semaphore(%arg11 : memref<!tpu.dma_semaphore, #tpu.memory_space<semaphore_mem>>) src(%dma_wait3A_130 : memref<128x128xf32, #tpu.memory_space<vmem>>) dst(%dma_wait3A_127 : memref<128x128xf32, #tpu.memory_space<hbm>>)
    %dma_wait3A_131 = arith.constant 128 : i32
    %dma_wait3A_132 = arith.constant 0 : i32
    %dma_wait3A_133 = tpu.memref_slice %arg6[%dma_wait3A_131, %dma_wait3A_132] : memref<512x128xf32, #tpu.memory_space<vmem>> -> memref<128x128xf32, #tpu.memory_space<vmem>>
    %dma_wait3A_134 = arith.constant 0 : i32
    %dma_wait3A_135 = tpu.memref_slice %arg4[%add3A_66, %dma_wait3A_134] : memref<16384x128xf32, #tpu.memory_space<hbm>> -> memref<128x128xf32, #tpu.memory_space<hbm>>
    %dma_wait3A_136 = arith.constant 0 : i32
    %dma_wait3A_137 = tpu.memref_slice %arg4[%add3A_66, %dma_wait3A_136] : memref<16384x128xf32, #tpu.memory_space<hbm>> -> memref<128x128xf32, #tpu.memory_space<hbm>>
    %dma_wait3A_138 = arith.constant 128 : i32
    %dma_wait3A_139 = arith.constant 0 : i32
    %dma_wait3A_140 = tpu.memref_slice %arg6[%dma_wait3A_138, %dma_wait3A_139] : memref<512x128xf32, #tpu.memory_space<vmem>> -> memref<128x128xf32, #tpu.memory_space<vmem>>
    tpu.wait_dma2 semaphore(%arg11 : memref<!tpu.dma_semaphore, #tpu.memory_space<semaphore_mem>>) src(%dma_wait3A_140 : memref<128x128xf32, #tpu.memory_space<vmem>>) dst(%dma_wait3A_137 : memref<128x128xf32, #tpu.memory_space<hbm>>)
    %dma_wait3A_141 = arith.constant 256 : i32
    %dma_wait3A_142 = arith.constant 0 : i32
    %dma_wait3A_143 = tpu.memref_slice %arg6[%dma_wait3A_141, %dma_wait3A_142] : memref<512x128xf32, #tpu.memory_space<vmem>> -> memref<128x128xf32, #tpu.memory_space<vmem>>
    %dma_wait3A_144 = arith.constant 0 : i32
    %dma_wait3A_145 = tpu.memref_slice %arg4[%add3A_88, %dma_wait3A_144] : memref<16384x128xf32, #tpu.memory_space<hbm>> -> memref<128x128xf32, #tpu.memory_space<hbm>>
    %dma_wait3A_146 = arith.constant 0 : i32
    %dma_wait3A_147 = tpu.memref_slice %arg4[%add3A_88, %dma_wait3A_146] : memref<16384x128xf32, #tpu.memory_space<hbm>> -> memref<128x128xf32, #tpu.memory_space<hbm>>
    %dma_wait3A_148 = arith.constant 256 : i32
    %dma_wait3A_149 = arith.constant 0 : i32
    %dma_wait3A_150 = tpu.memref_slice %arg6[%dma_wait3A_148, %dma_wait3A_149] : memref<512x128xf32, #tpu.memory_space<vmem>> -> memref<128x128xf32, #tpu.memory_space<vmem>>
    tpu.wait_dma2 semaphore(%arg11 : memref<!tpu.dma_semaphore, #tpu.memory_space<semaphore_mem>>) src(%dma_wait3A_150 : memref<128x128xf32, #tpu.memory_space<vmem>>) dst(%dma_wait3A_147 : memref<128x128xf32, #tpu.memory_space<hbm>>)
    %dma_wait3A_151 = arith.constant 384 : i32
    %dma_wait3A_152 = arith.constant 0 : i32
    %dma_wait3A_153 = tpu.memref_slice %arg6[%dma_wait3A_151, %dma_wait3A_152] : memref<512x128xf32, #tpu.memory_space<vmem>> -> memref<128x128xf32, #tpu.memory_space<vmem>>
    %dma_wait3A_154 = arith.constant 0 : i32
    %dma_wait3A_155 = tpu.memref_slice %arg4[%add3A_110, %dma_wait3A_154] : memref<16384x128xf32, #tpu.memory_space<hbm>> -> memref<128x128xf32, #tpu.memory_space<hbm>>
    %dma_wait3A_156 = arith.constant 0 : i32
    %dma_wait3A_157 = tpu.memref_slice %arg4[%add3A_110, %dma_wait3A_156] : memref<16384x128xf32, #tpu.memory_space<hbm>> -> memref<128x128xf32, #tpu.memory_space<hbm>>
    %dma_wait3A_158 = arith.constant 384 : i32
    %dma_wait3A_159 = arith.constant 0 : i32
    %dma_wait3A_160 = tpu.memref_slice %arg6[%dma_wait3A_158, %dma_wait3A_159] : memref<512x128xf32, #tpu.memory_space<vmem>> -> memref<128x128xf32, #tpu.memory_space<vmem>>
    tpu.wait_dma2 semaphore(%arg11 : memref<!tpu.dma_semaphore, #tpu.memory_space<semaphore_mem>>) src(%dma_wait3A_160 : memref<128x128xf32, #tpu.memory_space<vmem>>) dst(%dma_wait3A_157 : memref<128x128xf32, #tpu.memory_space<hbm>>)
    return
  }
}

module attributes {stable_mosaic.version = 14 : i64} {
  func.func @_mlp_body(%arg0: i32, %arg1: memref<8192x128xf32, #tpu.memory_space<vmem>>, %arg2: memref<1x128xf32, #tpu.memory_space<vmem>>, %arg3: memref<1x128xf32, #tpu.memory_space<vmem>>, %arg4: memref<256x256xf32, #tpu.memory_space<vmem>>, %arg5: memref<256xf32, #tpu.memory_space<vmem>>, %arg6: memref<256x128xf32, #tpu.memory_space<vmem>>, %arg7: memref<128xf32, #tpu.memory_space<vmem>>, %arg8: memref<64x128xf32, #tpu.memory_space<vmem>>, %arg9: memref<64xf32, #tpu.memory_space<vmem>>, %arg10: memref<1x64xf32, #tpu.memory_space<vmem>>, %arg11: memref<1xf32, #tpu.memory_space<vmem>>, %arg12: memref<64x128xf32, #tpu.memory_space<vmem>>) attributes {dimension_semantics = [#tpu.dimension_semantics<arbitrary>], iteration_bounds = array<i64: 2>, scalar_prefetch = 0 : i64, scratch_operands = 0 : i64, tpu.core_type = #tpu.core_type<tc>, window_params = [{transform_indices = @transform_0, window_bounds = array<i64: 8192, 128>}, {pipeline_mode = #tpu.pipeline_mode<synchronous>, transform_indices = @transform_1, window_bounds = array<i64: 1, 128>}, {pipeline_mode = #tpu.pipeline_mode<synchronous>, transform_indices = @transform_2, window_bounds = array<i64: 1, 128>}, {pipeline_mode = #tpu.pipeline_mode<synchronous>, transform_indices = @transform_3, window_bounds = array<i64: 256, 256>}, {pipeline_mode = #tpu.pipeline_mode<synchronous>, transform_indices = @transform_4, window_bounds = array<i64: 256>}, {pipeline_mode = #tpu.pipeline_mode<synchronous>, transform_indices = @transform_5, window_bounds = array<i64: 256, 128>}, {pipeline_mode = #tpu.pipeline_mode<synchronous>, transform_indices = @transform_6, window_bounds = array<i64: 128>}, {pipeline_mode = #tpu.pipeline_mode<synchronous>, transform_indices = @transform_7, window_bounds = array<i64: 64, 128>}, {pipeline_mode = #tpu.pipeline_mode<synchronous>, transform_indices = @transform_8, window_bounds = array<i64: 64>}, {pipeline_mode = #tpu.pipeline_mode<synchronous>, transform_indices = @transform_9, window_bounds = array<i64: 1, 64>}, {pipeline_mode = #tpu.pipeline_mode<synchronous>, transform_indices = @transform_10, window_bounds = array<i64: 1>}, {transform_indices = @transform_11, window_bounds = array<i64: 64, 128>}]} {
    %get3A = arith.constant 0 : index
    %get3A_0 = arith.constant 0 : index
    %get3A_1 = vector.load %arg2[%get3A, %get3A_0] : memref<1x128xf32, #tpu.memory_space<vmem>>, vector<1x128xf32>
    %get3A_2 = arith.constant 0 : index
    %get3A_3 = arith.constant 0 : index
    %get3A_4 = vector.load %arg3[%get3A_2, %get3A_3] : memref<1x128xf32, #tpu.memory_space<vmem>>, vector<1x128xf32>
    %add3A = arith.addf %get3A_1, %get3A_4 : vector<1x128xf32>
    %get3A_5 = arith.constant 0 : index
    %get3A_6 = arith.constant 0 : index
    %get3A_7 = vector.load %arg4[%get3A_5, %get3A_6] : memref<256x256xf32, #tpu.memory_space<vmem>>, vector<256x256xf32>
    %slice3A = vector.extract_strided_slice %get3A_7 {offsets = [0, 0], sizes = [128, 256], strides = [1, 1]} : vector<256x256xf32> to vector<128x256xf32>
    %dot_general3A = arith.constant dense<0.000000e+00> : vector<1x256xf32>
    %dot_general3A_8 = tpu.matmul %add3A, %slice3A, %dot_general3A {dimension_numbers = #tpu.dot_dimension_numbers<[1], [0], [0], [1], [0, 0, 1, 1], [], []>, transpose_lhs_hint = false} : vector<1x128xf32>, vector<128x256xf32>, vector<1x256xf32> -> vector<1x256xf32>
    %get3A_9 = arith.constant 0 : index
    %get3A_10 = vector.load %arg5[%get3A_9] : memref<256xf32, #tpu.memory_space<vmem>>, vector<256xf32>
    %broadcast_in_dim3A = vector.shape_cast %get3A_10 : vector<256xf32> to vector<1x256xf32>
    %add3A_11 = arith.addf %dot_general3A_8, %broadcast_in_dim3A : vector<1x256xf32>
    %convert_element_type3A = arith.truncf %add3A_11 : vector<1x256xf32> to vector<1x256xbf16>
    %get3A_12 = arith.constant 0 : index
    %get3A_13 = arith.constant 0 : index
    %get3A_14 = vector.load %arg1[%get3A_12, %get3A_13] : memref<8192x128xf32, #tpu.memory_space<vmem>>, vector<8192x128xf32>
    %convert_element_type3A_15 = arith.truncf %get3A_14 : vector<8192x128xf32> to vector<8192x128xbf16>
    %slice3A_16 = vector.extract_strided_slice %get3A_7 {offsets = [128, 0], sizes = [128, 256], strides = [1, 1]} : vector<256x256xf32> to vector<128x256xf32>
    %convert_element_type3A_17 = arith.truncf %slice3A_16 : vector<128x256xf32> to vector<128x256xbf16>
    %dot_general3A_18 = arith.constant dense<0.000000e+00> : vector<8192x256xf32>
    %dot_general3A_19 = tpu.matmul %convert_element_type3A_15, %convert_element_type3A_17, %dot_general3A_18 {dimension_numbers = #tpu.dot_dimension_numbers<[1], [0], [0], [1], [0, 0, 1, 1], [], []>, transpose_lhs_hint = false} : vector<8192x128xbf16>, vector<128x256xbf16>, vector<8192x256xf32> -> vector<8192x256xf32>
    %convert_element_type3A_20 = arith.truncf %dot_general3A_19 : vector<8192x256xf32> to vector<8192x256xbf16>
    %add3A_21 = vector.broadcast %convert_element_type3A : vector<1x256xbf16> to vector<8192x256xbf16>
    %add3A_22 = arith.addf %convert_element_type3A_20, %add3A_21 : vector<8192x256xbf16>
    %max3A = arith.constant 0.000000e+00 : bf16
    %max3A_23 = vector.broadcast %max3A : bf16 to vector<8192x256xbf16>
    %max3A_24 = arith.maximumf %add3A_22, %max3A_23 : vector<8192x256xbf16>
    %get3A_25 = arith.constant 0 : index
    %get3A_26 = arith.constant 0 : index
    %get3A_27 = vector.load %arg6[%get3A_25, %get3A_26] : memref<256x128xf32, #tpu.memory_space<vmem>>, vector<256x128xf32>
    %convert_element_type3A_28 = arith.truncf %get3A_27 : vector<256x128xf32> to vector<256x128xbf16>
    %dot_general3A_29 = arith.constant dense<0.000000e+00> : vector<8192x128xf32>
    %dot_general3A_30 = tpu.matmul %max3A_24, %convert_element_type3A_28, %dot_general3A_29 {dimension_numbers = #tpu.dot_dimension_numbers<[1], [0], [0], [1], [0, 0, 1, 1], [], []>, transpose_lhs_hint = false} : vector<8192x256xbf16>, vector<256x128xbf16>, vector<8192x128xf32> -> vector<8192x128xf32>
    %convert_element_type3A_31 = arith.truncf %dot_general3A_30 : vector<8192x128xf32> to vector<8192x128xbf16>
    %get3A_32 = arith.constant 0 : index
    %get3A_33 = vector.load %arg7[%get3A_32] : memref<128xf32, #tpu.memory_space<vmem>>, vector<128xf32>
    %convert_element_type3A_34 = arith.truncf %get3A_33 : vector<128xf32> to vector<128xbf16>
    %broadcast_in_dim3A_35 = vector.shape_cast %convert_element_type3A_34 : vector<128xbf16> to vector<1x128xbf16>
    %add3A_36 = vector.broadcast %broadcast_in_dim3A_35 : vector<1x128xbf16> to vector<8192x128xbf16>
    %add3A_37 = arith.addf %convert_element_type3A_31, %add3A_36 : vector<8192x128xbf16>
    %max3A_38 = arith.constant 0.000000e+00 : bf16
    %max3A_39 = vector.broadcast %max3A_38 : bf16 to vector<8192x128xbf16>
    %max3A_40 = arith.maximumf %add3A_37, %max3A_39 : vector<8192x128xbf16>
    %get3A_41 = arith.constant 0 : index
    %get3A_42 = arith.constant 0 : index
    %get3A_43 = vector.load %arg8[%get3A_41, %get3A_42] : memref<64x128xf32, #tpu.memory_space<vmem>>, vector<64x128xf32>
    %convert_element_type3A_44 = arith.truncf %get3A_43 : vector<64x128xf32> to vector<64x128xbf16>
    %dot_general3A_45 = arith.constant dense<0.000000e+00> : vector<8192x64xf32>
    %dot_general3A_46 = tpu.matmul %max3A_40, %convert_element_type3A_44, %dot_general3A_45 {dimension_numbers = #tpu.dot_dimension_numbers<[1], [1], [0], [0], [0, 0, 1, 0], [], []>, transpose_lhs_hint = false} : vector<8192x128xbf16>, vector<64x128xbf16>, vector<8192x64xf32> -> vector<8192x64xf32>
    %convert_element_type3A_47 = arith.truncf %dot_general3A_46 : vector<8192x64xf32> to vector<8192x64xbf16>
    %get3A_48 = arith.constant 0 : index
    %get3A_49 = vector.load %arg9[%get3A_48] : memref<64xf32, #tpu.memory_space<vmem>>, vector<64xf32>
    %convert_element_type3A_50 = arith.truncf %get3A_49 : vector<64xf32> to vector<64xbf16>
    %broadcast_in_dim3A_51 = vector.shape_cast %convert_element_type3A_50 : vector<64xbf16> to vector<1x64xbf16>
    %add3A_52 = vector.broadcast %broadcast_in_dim3A_51 : vector<1x64xbf16> to vector<8192x64xbf16>
    %add3A_53 = arith.addf %convert_element_type3A_47, %add3A_52 : vector<8192x64xbf16>
    %max3A_54 = arith.constant 0.000000e+00 : bf16
    %max3A_55 = vector.broadcast %max3A_54 : bf16 to vector<8192x64xbf16>
    %max3A_56 = arith.maximumf %add3A_53, %max3A_55 : vector<8192x64xbf16>
    %get3A_57 = arith.constant 0 : index
    %get3A_58 = arith.constant 0 : index
    %get3A_59 = vector.load %arg10[%get3A_57, %get3A_58] : memref<1x64xf32, #tpu.memory_space<vmem>>, vector<1x64xf32>
    %convert_element_type3A_60 = arith.truncf %get3A_59 : vector<1x64xf32> to vector<1x64xbf16>
    %dot_general3A_61 = arith.constant dense<0.000000e+00> : vector<1x8192xf32>
    %dot_general3A_62 = tpu.matmul %convert_element_type3A_60, %max3A_56, %dot_general3A_61 {dimension_numbers = #tpu.dot_dimension_numbers<[1], [1], [0], [0], [0, 0, 1, 0], [], []>, transpose_lhs_hint = false} : vector<1x64xbf16>, vector<8192x64xbf16>, vector<1x8192xf32> -> vector<1x8192xf32>
    %reshape3A = vector.shape_cast %dot_general3A_62 : vector<1x8192xf32> to vector<64x128xf32>
    %get3A_63 = arith.constant 0 : index
    %get3A_64 = vector.load %arg11[%get3A_63] : memref<1xf32, #tpu.memory_space<vmem>>, vector<1xf32>
    %broadcast_in_dim3A_65 = vector.shape_cast %get3A_64 : vector<1xf32> to vector<1x1xf32>
    %add3A_66 = vector.broadcast %broadcast_in_dim3A_65 : vector<1x1xf32> to vector<64x128xf32>
    %add3A_67 = arith.addf %reshape3A, %add3A_66 : vector<64x128xf32>
    %logistic3A = arith.negf %add3A_67 : vector<64x128xf32>
    %logistic3A_68 = math.exp %logistic3A : vector<64x128xf32>
    %logistic3A_69 = arith.constant 1.000000e+00 : f32
    %logistic3A_70 = vector.broadcast %logistic3A_69 : f32 to vector<64x128xf32>
    %logistic3A_71 = arith.addf %logistic3A_70, %logistic3A_68 : vector<64x128xf32>
    %logistic3A_72 = arith.divf %logistic3A_70, %logistic3A_71 : vector<64x128xf32>
    %swap3A = arith.constant 0 : index
    %swap3A_73 = arith.constant 0 : index
    %swap3A_74 = vector.load %arg12[%swap3A, %swap3A_73] : memref<64x128xf32, #tpu.memory_space<vmem>>, vector<64x128xf32>
    tpu.vector_store %arg12[%swap3A, %swap3A_73], %logistic3A_72 {strides = array<i32>} : memref<64x128xf32, #tpu.memory_space<vmem>>, vector<64x128xf32>,
    return
  }
  func.func @transform_0(%arg0: i32) -> (i32, i32) {
    %c0_i32 = arith.constant 0 : i32
    %c0_i32_0 = arith.constant 0 : i32
    return %arg0, %c0_i32 : i32, i32
  }
  func.func @transform_1(%arg0: i32) -> (i32, i32) {
    %c0_i32 = arith.constant 0 : i32
    %c0_i32_0 = arith.constant 0 : i32
    %c0_i32_1 = arith.constant 0 : i32
    return %c0_i32, %c0_i32_0 : i32, i32
  }
  func.func @transform_2(%arg0: i32) -> (i32, i32) {
    %c0_i32 = arith.constant 0 : i32
    %c0_i32_0 = arith.constant 0 : i32
    %c0_i32_1 = arith.constant 0 : i32
    return %c0_i32, %c0_i32_0 : i32, i32
  }
  func.func @transform_3(%arg0: i32) -> (i32, i32) {
    %c0_i32 = arith.constant 0 : i32
    %c0_i32_0 = arith.constant 0 : i32
    %c0_i32_1 = arith.constant 0 : i32
    return %c0_i32, %c0_i32_0 : i32, i32
  }
  func.func @transform_4(%arg0: i32) -> i32 {
    %c0_i32 = arith.constant 0 : i32
    %c0_i32_0 = arith.constant 0 : i32
    return %c0_i32 : i32
  }
  func.func @transform_5(%arg0: i32) -> (i32, i32) {
    %c0_i32 = arith.constant 0 : i32
    %c0_i32_0 = arith.constant 0 : i32
    %c0_i32_1 = arith.constant 0 : i32
    return %c0_i32, %c0_i32_0 : i32, i32
  }
  func.func @transform_6(%arg0: i32) -> i32 {
    %c0_i32 = arith.constant 0 : i32
    %c0_i32_0 = arith.constant 0 : i32
    return %c0_i32 : i32
  }
  func.func @transform_7(%arg0: i32) -> (i32, i32) {
    %c0_i32 = arith.constant 0 : i32
    %c0_i32_0 = arith.constant 0 : i32
    %c0_i32_1 = arith.constant 0 : i32
    return %c0_i32, %c0_i32_0 : i32, i32
  }
  func.func @transform_8(%arg0: i32) -> i32 {
    %c0_i32 = arith.constant 0 : i32
    %c0_i32_0 = arith.constant 0 : i32
    return %c0_i32 : i32
  }
  func.func @transform_9(%arg0: i32) -> (i32, i32) {
    %c0_i32 = arith.constant 0 : i32
    %c0_i32_0 = arith.constant 0 : i32
    %c0_i32_1 = arith.constant 0 : i32
    return %c0_i32, %c0_i32_0 : i32, i32
  }
  func.func @transform_10(%arg0: i32) -> i32 {
    %c0_i32 = arith.constant 0 : i32
    %c0_i32_0 = arith.constant 0 : i32
    return %c0_i32 : i32
  }
  func.func @transform_11(%arg0: i32) -> (i32, i32) {
    %c0_i32 = arith.constant 0 : i32
    %c0_i32_0 = arith.constant 0 : i32
    return %arg0, %c0_i32 : i32, i32
  }
}

</mosaic_0001>

<sc_bundles>
// kernel: kernel.4.cloned.1.call-start
scs
__scs_entry_jumppad:
0x0: {  	(pc) =	sbr.rel $0x88, $3  }
0x1: {  	(tag) =	ssettag $0x0;
	lr =	simm.s32 $0x1  }
0x2: {  	[smem:$0x3F95] =	sst lr;
	_ =	strace $0xD0000000  }
0x3: {  	_ = 	snop  }
0x4: {  	_ = 	snop  }
0x5: {  	_ = 	snop  }
0x6: {  	_ = 	snop  }
0x7: {  	_ = 	snop  }
__scs_overlays_trampoline_lowered:
0x8: {  	[smem:$0x3FA4] =	sst s0  }
0x9: {  	[smem:$0x3FA5] =	sst s1  }
0xa: {  	[smem:$0x3FA6] =	sst s2  }
0xb: {  	[smem:$0x3FA7] =	sst s3  }
0xc: {  	[smem:$0x3FA8] =	sst s4  }
0xd: {  	[smem:$0x3FA9] =	sst s5  }
0xe: {  	[smem:$0x3FAA] =	sst s6  }
0xf: {  	[smem:$0x3FAB] =	sst s7  }
0x10: {  	[smem:$0x3FAC] =	sst s8  }
0x11: {  	[smem:$0x3FAD] =	sst s9;
	s0 =	simm.s32 @!p0 $0x0  }
0x12: {  	s1 =	sld [smem:$0x3F93];
	s0 =	simm.s32 @p0 $0x1  }
0x13: {  	[smem:$0x3FAE] =	sst s0;
	s0 =	simm.s32 @!p1 $0x0  }
0x14: {  	s2 =	sld [smem:$0x3F92];
	s0 =	simm.s32 @p1 $0x1  }
0x15: {  	[smem:$0x3FAF] =	sst s0;
	s0 =	simm.s32 @!p2 $0x0  }
0x16: {  	s3 =	sld [smem:$0x3FDB];
	s0 =	simm.s32 @p2 $0x1  }
0x17: {  	s4 =	simm.s32 $0x1BF5;
	[smem:$0x3FB1] =	sst s0  }
0x18: {  	s0 =	sld [smem:$0x3F94];
	_ =	swait.ge [sflag:s4], $0x0  }
0x19: {  	s7 =	sld [smem:$0x3F95]  }
0x1a: {  	s8 =	sadd.s32 $0xFFFFE003, lr  }
0x1b: {  	s9 =	sadd.s32 $0xFFFFFEF7, lr;
	s5 =	simm.s32 $0xFFFFFFFF;
	p2 =	slt.u32 s8, $0xFFFFF086  }
0x1c: {  	p1 =	slt.u32 s9, $0xF7A;
	s5 =	simm.s32 @!p2 $0x0  }
0x1d: {  	s5 =	simm.s32 @p1 $0x1;
	p0 =	seq.s32 s7, s2  }
0x1e: {  	s7 =	smul.u32 @!p0 $0xF7A, s2;
	p2 =	seq.s32 @!p0 s5, $0x0  }
0x1f: {  	s9 =	smul.u32 $0xF7A, s1;
	s8 =	simm.s32 @!p0 $0x1BF5;
	p2 =	por !p2, p0  }
0x20: {  	[sflag:s8] =	ssyncset.s32 @!p0 $0xFFFFF086;
	s6 =	sadd.s32 @!p0 s3, s7;
	s7 =	simm.s32 @!p0 $0x108  }
0x21: {  	s3 =	sadd.s32 s3, s9;
	s6 =	sadd.s32 @!p0 $0x88, s6;
	s7 =	simm.s32 @p2 $0x1082  }
0x22: {  	[simem:s7], [sflag:s8] =	dma.local @!p0 [hbm:s6], $0xF7A  }
0x23: {  	s9 =	sor.u32 $0xD0000000, s2;
	s6 =	simm.s32 $0x108;
	_ =	swait.ge @!p0 [sflag:s8], $0x0  }
0x24: {  	s3 =	sadd.s32 $0x88, s3;
	s6 =	simm.s32 @!p1 $0x1082;
	[sflag:s4] =	ssyncset.s32 $0xFFFFF086  }
0x25: {  	[simem:s6], [sflag:s4] =	dma.local [hbm:s3], $0xF7A  }
0x26: {  	[smem:$0x3F95] =	sst s1;
	(tag) =	ssettag s2;
	_ =	strace s9  }
0x27: {  	s1 =	sld [smem:$0x3FA5]  }
0x28: {  	s2 =	sld [smem:$0x3FA6]  }
0x29: {  	s4 =	sld [smem:$0x3FA8]  }
0x2a: {  	p0 =	seq.s32 s5, $0x0;
	s5 =	sld [smem:$0x3FA9]  }
0x2b: {  	s6 =	sld [smem:$0x3FAA]  }
0x2c: {  	s7 =	sld [smem:$0x3FAB]  }
0x2d: {  	s3 =	simm.s32 $0x108;
	s8 =	sld [smem:$0x3FAC]  }
0x2e: {  	s3 =	simm.s32 @!p0 $0x1082;
	s9 =	sld [smem:$0x3FAD]  }
0x2f: {  	lr =	sadd.s32 s0, s3;
	s0 =	sld [smem:$0x3FA4]  }
0x30: {  	s3 =	sld [smem:$0x3FA7]  }
0x31: {  	[smem:$0x3FB0] =	sst s10  }
0x32: {  	s10 =	sld [smem:$0x3FAE];
	_ =	sdelay $0x3  }
0x33: {  	p0 =	seq.s32 s10, $0x1;
	s10 =	sld [smem:$0x3FB0];
	_ =	sdelay $0x3  }
0x34: {  	[smem:$0x3FB0] =	sst s10  }
0x35: {  	s10 =	sld [smem:$0x3FAF];
	_ =	sdelay $0x3  }
0x36: {  	p1 =	seq.s32 s10, $0x1;
	s10 =	sld [smem:$0x3FB0];
	_ =	sdelay $0x3  }
0x37: {  	[smem:$0x3FB0] =	sst s10  }
0x38: {  	s10 =	sld [smem:$0x3FB1]  }
0x39: {  	_ = 	snop;
	(pc) =	sbr.ind lr, $3  }
0x3a: {  	_ = 	snop  }
0x3b: {  	_ = 	snop  }
0x3c: {  	p2 =	seq.s32 s10, $0x1;
	s10 =	sld [smem:$0x3FB0]  }
0x3d: {  	_ =	shalt  }
0x3e: {  	_ =	shalt  }
0x3f: {  	_ =	shalt  }
0x40: {  	_ =	shalt  }
0x41: {  	_ =	shalt  }
0x42: {  	_ =	shalt  }
0x43: {  	_ =	shalt  }
0x44: {  	_ =	shalt  }
0x45: {  	_ =	shalt  }
0x46: {  	_ =	shalt  }
0x47: {  	_ =	shalt  }
0x48: {  	_ =	shalt  }
0x49: {  	_ =	shalt  }
0x4a: {  	_ =	shalt  }
0x4b: {  	_ =	shalt  }
0x4c: {  	_ =	shalt  }
0x4d: {  	_ =	shalt  }
0x4e: {  	_ =	shalt  }
0x4f: {  	_ =	shalt  }
0x50: {  	_ =	shalt  }
0x51: {  	_ =	shalt  }
0x52: {  	_ =	shalt  }
0x53: {  	_ =	shalt  }
0x54: {  	_ =	shalt  }
0x55: {  	_ =	shalt  }
0x56: {  	_ =	shalt  }
0x57: {  	_ =	shalt  }
0x58: {  	_ =	shalt  }
0x59: {  	_ =	shalt  }
0x5a: {  	_ =	shalt  }
0x5b: {  	_ =	shalt  }
0x5c: {  	_ =	shalt  }
0x5d: {  	_ =	shalt  }
0x5e: {  	_ =	shalt  }
0x5f: {  	_ =	shalt  }
0x60: {  	_ =	shalt  }
0x61: {  	_ =	shalt  }
0x62: {  	_ =	shalt  }
0x63: {  	_ =	shalt  }
0x64: {  	_ =	shalt  }
0x65: {  	_ =	shalt  }
0x66: {  	_ =	shalt  }
0x67: {  	_ =	shalt  }
0x68: {  	_ =	shalt  }
0x69: {  	_ =	shalt  }
0x6a: {  	_ =	shalt  }
0x6b: {  	_ =	shalt  }
0x6c: {  	_ =	shalt  }
0x6d: {  	_ =	shalt  }
0x6e: {  	_ =	shalt  }
0x6f: {  	_ =	shalt  }
0x70: {  	_ =	shalt  }
0x71: {  	_ =	shalt  }
0x72: {  	_ =	shalt  }
0x73: {  	_ =	shalt  }
0x74: {  	_ =	shalt  }
0x75: {  	_ =	shalt  }
0x76: {  	_ =	shalt  }
0x77: {  	_ =	shalt  }
0x78: {  	_ =	shalt  }
0x79: {  	_ =	shalt  }
0x7a: {  	_ =	shalt  }
0x7b: {  	_ =	shalt  }
0x7c: {  	_ =	shalt  }
0x7d: {  	_ =	shalt  }
0x7e: {  	_ =	shalt  }
0x7f: {  	_ =	shalt  }
0x80: {  	_ =	shalt  }
0x81: {  	_ =	shalt  }
0x82: {  	_ =	shalt  }
0x83: {  	_ =	shalt  }
0x84: {  	_ =	shalt  }
0x85: {  	_ =	shalt  }
0x86: {  	_ =	shalt  }
0x87: {  	_ =	shalt  }
.Lfunc_end0:
.L_simem_size_0:
called_computation_lowered:
.L_overlay_start_0:
0x88: {  	s2 =	sld [smem:$0x3FD9]  }
0x89: {  	s3 =	sld [smem:$0x3FFE];
	_ =	sdelay $0x1  }
0x8a: {  	s1 =	srdreg.scid  }
0x8b: {  	s0 =	sand.u32 $0x1, s1  }
0x8c: {  	s17 =	sshll.u32 s0, $0xA;
	s2 =	sadd.s32 s3, s2  }
0x8d: {  	s2 =	sadd.s32 s2, s17  }
0x8e: {  	[smem:$0x3FBC] =	sst s2  }
0x8f: {  	_ = 	snop  }
0x90: {  	s2 =	sld [smem:$0x3FC9]  }
0x91: {  	s18 =	sld [smem:$0x3FC6];
	(tm) =	ssettm $0x1  }
0x92: {  	s4 =	sld [smem:$0x3FFB];
	_ =	sdelay $0x3  }
0x93: {  	_ =	strace s4  }
0x94: {  	s4 =	sld [smem:$0x3FFC];
	_ =	sdelay $0x3  }
0x95: {  	_ =	strace s4  }
0x96: {  	s4 =	sld [smem:$0x3FFD];
	_ =	sdelay $0x3  }
0x97: {  	_ =	strace s4  }
0x98: {  	_ =	strace $0x8FFFFFFF  }
0x99: {  	s19 =	sld [smem:$0x3FDB];
	_ =	sdelay $0x1  }
0x9a: {  	s5 =	simm.s32 $_scs_section_size  }
0x9b: {  	s6 =	simm.s32 $_size__tile_overlayer_lowered;
	s7 =	simm.s32 $_tile_overlayer_lowered  }
0x9c: {  	s22 =	simm.s32 $0x1BFF;
	s21 =	sshll.u32 s7, $0x1;
	s4 =	sadd.s32 s5, s19  }
0x9d: {  	s8 =	simm.s32 $0x0;
	s20 =	sshll.u32 s6, $0x1;
	s6 =	sadd.s32 s21, s4  }
0x9e: {  	[timem:s8], [sflag:s22] =	dma.local [hbm:s6], s20  }
0x9f: {  	_ =	swait.ge [sflag:s22], s20  }
0xa0: {  	s5 =	ssub.s32 $0x0, s20;
	[sflag:s22] =	ssyncset.done $0x0  }
0xa1: {  	[sflag:s22] =	ssyncadd.s32 s5;
	_ =	sdelay $0x1  }
0xa2: {  	s23 =	simm.s32 $0x1B8B  }
0xa3: {  	_ =	swait.ge [sflag:s23], $0x1  }
0xa4: {  	[sflag:s23] =	ssyncset.done $0x0  }
0xa5: {  	s25 =	simm.s32 $0x1B8E;
	s24 =	sld [smem:$0x3FFE];
	[sflag:s23] =	ssyncadd.s32 $0xFFFFFFFF  }
0xa6: {  	s26 =	simm.s32 $execute0_lowered;
	[smem:$0x3FD2] =	sst s25  }
0xa7: {  	s6 =	sshll.u32 s26, $0x1;
	_ =	strace $0x80000046;
	[dreg:$0x1] =	wrdreg $0xFFFFFFFF  }
0xa8: {  	s28 =	simm.s32 $_size_execute0_lowered;
	s4 =	sadd.s32 s4, s6;
	[dreg:$0x0] =	wrdreg $0x0  }
0xa9: {  	s6 =	sshll.u32 s28, $0x1;
	[dreg:$0x2] =	wrdreg s4  }
0xaa: {  	[dreg:$0x3] =	wrdreg s6  }
0xab: {  	[dreg:$0x4] =	wrdreg $0xC0  }
0xac: {  	_ =	task [dreg:s8], $0x5FFFF  }
0xad: {  	[dreg:$0x1] =	wrdreg $0xFFFFFFFF  }
0xae: {  	[dreg:$0x0] =	wrdreg $0x60  }
0xaf: {  	[dreg:$0x2] =	wrdreg s2  }
0xb0: {  	[dreg:$0x3] =	wrdreg s18  }
0xb1: {  	[dreg:$0x4] =	wrdreg s24  }
0xb2: {  	[dreg:$0x5] =	wrdreg $0x9  }
0xb3: {  	_ =	task.clear_ibuf [dreg:s8], $0x6FFFF;
	_ =	strace $0x90000046  }
0xb4: {  	s29 =	simm.s32 $0x9;
	_ =	strace $0x80000048  }
0xb5: {  	_ =	swait.ge [sflag:s29], $0x1  }
0xb6: {  	[sflag:s29] =	ssyncadd.s32 $0xFFFFFFFF  }
0xb7: {  	_ =	strace $0x90000048  }
0xb8: {  	_ =	sfence  }
0xb9: {  	s30 =	sld [smem:$0x0];
	_ =	sdelay $0x2  }
0xba: {  	s31 =	sshll.u32 s1, $0xD;
	s1 =	sshrl.u32 s1, $0x2  }
0xbb: {  	s3 =	sand.u32 $0x4000, s31;
	s1 =	sadd.s32 s1, s30  }
0xbc: {  	s0 =	sor.u32 s3, s0;
	s1 =	sshll.u32 s1, $0x11  }
0xbd: {  	s0 =	sor.u32 s1, s0  }
0xbe: {  	s0 =	sadd.s32 $0x8F2B, s0  }
0xbf: {  	[sflag:s0] =	ssyncadd.remote.s32 $0x1  }
0xc0: {  	_ =	sfence.sel $0xFFFF  }
0xc1: {  	[dreg:$0x0] =	wrdreg $0xFFFFFFFF;
	(pc) =	sbr.abs _section_cstart, $3  }
0xc2: {  	[dreg:$0x1] =	wrdreg $0xFFFFFFFF  }
0xc3: {  	_ =	task.clear_ibuf [dreg:s8], $0x2FFFF;
	_ =	strace $0x9FFFFFFF  }
0xc4: {  	(tm) =	ssettm $0x7FFFFFFF  }
0xc5: {  	_ =	shalt  }
tec
execute0_lowered:
.L_overlay_start_1:
0x0: {  	(tag) =	ssettag $0x1  }
0x1: {  	s4 =	rddreg [dreg:$0x0];
	s1 =	srdreg.scid  }
0x2: {  	s2 =	rddreg [dreg:$0x1];
	s0 =	stileid.u32;
	s22 =	sand.u32 $0x1, s1  }
0x3: {  	s14 =	rddreg [dreg:$0x2];
	s5 =	sshll.u32 s0, $0xA;
	s6 =	sshll.u32 s22, $0x9  }
0x4: {  	s3 =	simm.s32 $0x0;
	s1 =	rddreg [dreg:$0x3];
	s15 =	sor.u32 s6, s5  }
0x5: {  	[smem:$0x7FF] =	sst s3;
	s5 =	sshrl.u32 s15, $0x3  }
0x6: {  	_ =	strace $0x80000047;
	s4 =	sadd.s32 s4, s5;
	s5 =	simm.s32 $0x6  }
0x7: {  	[tilespmem:s3], [sflag:$0x6] =	stream.linear.gather [hbm4b:s4+s3], $0x200, $0x38;
	[tilespmem:$0x10200] =	vst v63  }
0x8: {  	_ =	swait.ge [sflag:s5], $0x200  }
0x9: {  	[sflag:s5] =	ssyncset.done $0x0  }
0xa: {  	s7 =	simm.s32 $0x200;
	s6 =	simm.s32 $0x80;
	[sflag:s5] =	ssyncadd.s32 $0xFFFFFE00  }
0xb: {  	[tilespmem:s7], [sflag:$0x1] =	stream.indirect.gather [hbm4b:s2+s6], $0x80, s3, s6, $0xb8;
	[tilespmem:$0x10200] =	vst v63  }
0xc: {  	s8 =	simm.s32 $0x4200  }
0xd: {  	[tilespmem:s8], [sflag:$0x2] =	stream.indirect.gather [hbm4b:s2+s6], $0x80, s6, s6, $0xb8;
	[tilespmem:$0x10200] =	vst v63  }
0xe: {  	s9 =	simm.s32 $0x100;
	s10 =	simm.s32 $0x8200  }
0xf: {  	[tilespmem:s10], [sflag:$0x3] =	stream.indirect.gather [hbm4b:s2+s6], $0x80, s9, s6, $0xb8;
	[tilespmem:$0x10200] =	vst v63  }
0x10: {  	s11 =	simm.s32 $0x180;
	s12 =	simm.s32 $0xC200;
	s13 =	simm.s32 $0x1  }
0x11: {  	[tilespmem:s12], [sflag:$0x4] =	stream.indirect.gather [hbm4b:s2+s6], $0x80, s11, s6, $0xb8;
	[tilespmem:$0x10200] =	vst v63  }
0x12: {  	s15 =	sshll.u32 s15, $0x4;
	_ =	swait.ge [sflag:s13], $0x4000  }
0x13: {  	s20 =	sadd.s32 s15, s14;
	[sflag:s13] =	ssyncset.done $0x0  }
0x14: {  	s15 =	simm.s32 $0x2;
	s14 =	sadd.s32 $0x1800, s20;
	[sflag:s13] =	ssyncadd.s32 $0xFFFFC000  }
0x15: {  	[hbm4b:s14+s3] =	stream.linear.scatter [tilespmem:s7], [sflag:$0x5], $0x4000, $0x38;
	[tilespmem:$0x10200] =	vst v63  }
0x16: {  	_ =	swait.ge [sflag:s15], $0x4000  }
0x17: {  	[sflag:s15] =	ssyncset.done $0x0  }
0x18: {  	s17 =	simm.s32 $0x3;
	s16 =	sadd.s32 $0x2000, s20;
	[sflag:s15] =	ssyncadd.s32 $0xFFFFC000  }
0x19: {  	[hbm4b:s16+s3] =	stream.linear.scatter [tilespmem:s8], [sflag:$0x5], $0x4000, $0x38;
	[tilespmem:$0x10200] =	vst v63  }
0x1a: {  	_ =	swait.ge [sflag:s17], $0x4000  }
0x1b: {  	[sflag:s17] =	ssyncset.done $0x0  }
0x1c: {  	s19 =	simm.s32 $0x4;
	s18 =	sadd.s32 $0x2800, s20;
	[sflag:s17] =	ssyncadd.s32 $0xFFFFC000  }
0x1d: {  	[hbm4b:s18+s3] =	stream.linear.scatter [tilespmem:s10], [sflag:$0x5], $0x4000, $0x38;
	[tilespmem:$0x10200] =	vst v63  }
0x1e: {  	_ =	swait.ge [sflag:s19], $0x4000  }
0x1f: {  	[sflag:s19] =	ssyncset.done $0x0  }
0x20: {  	s21 =	sadd.s32 $0x3000, s20;
	s20 =	simm.s32 $0x5;
	[sflag:s19] =	ssyncadd.s32 $0xFFFFC000  }
0x21: {  	[hbm4b:s21+s3] =	stream.linear.scatter [tilespmem:s12], [sflag:$0x5], $0x4000, $0x38;
	[tilespmem:$0x10200] =	vst v63  }
0x22: {  	_ =	swait.ge [sflag:s20], $0x4000  }
0x23: {  	s22 =	ssub.s32 $0x2, s22;
	[sflag:s20] =	ssyncset.done $0x0  }
0x24: {  	s23 =	sshrl.u32 s22, $0x1;
	[sflag:s20] =	ssyncadd.s32 $0xFFFFC000  }
0x25: {  	s22 =	ssub.s32 s22, s23;
	_ =	swait.ge [sflag:s20], $0x4000  }
0x26: {  	s22 =	smax.u32 s22, $0x1;
	[sflag:s20] =	ssyncset.done $0x0  }
0x27: {  	p0 =	sne.s32 s22, $0x1;
	[sflag:s20] =	ssyncadd.s32 $0xFFFFC000  }
.Ltmp0:
0x28: {  	_ =	swait.ge [sflag:s20], $0x4000;
	(pc) =	sbr.rel @!p0 .LBB2_2-.Ltmp0, $4  }
0x29: {  	[sflag:s20] =	ssyncset.done $0x0  }
0x2a: {  	[sflag:s20] =	ssyncadd.s32 $0xFFFFC000  }
0x2b: {  	_ =	swait.ge [sflag:s20], $0x4000  }
0x2c: {  	s22 =	sadd.s32 $0xFFFFFFFF, s22;
	[sflag:s20] =	ssyncset.done $0x0  }
.LBB2_1:
0x2d: {  	p0 =	sne.s32 s22, $0x1;
	s22 =	sadd.s32 $0xFFFFFFFF, s22;
	[sflag:s20] =	ssyncadd.s32 $0xFFFFC000  }
0x2e: {  	[tilespmem:s3], [sflag:$0x6] =	stream.linear.gather [hbm4b:s4+s3], $0x200, $0x38;
	[tilespmem:$0x10200] =	vst v63  }
0x2f: {  	_ =	swait.ge [sflag:s5], $0x200  }
0x30: {  	[sflag:s5] =	ssyncset.done $0x0  }
0x31: {  	[sflag:s5] =	ssyncadd.s32 $0xFFFFFE00  }
0x32: {  	[tilespmem:s7], [sflag:$0x1] =	stream.indirect.gather [hbm4b:s2+s6], $0x80, s3, s6, $0xb8;
	[tilespmem:$0x10200] =	vst v63  }
0x33: {  	_ = 	snop  }
0x34: {  	[tilespmem:s8], [sflag:$0x2] =	stream.indirect.gather [hbm4b:s2+s6], $0x80, s6, s6, $0xb8;
	[tilespmem:$0x10200] =	vst v63  }
0x35: {  	_ = 	snop  }
0x36: {  	[tilespmem:s10], [sflag:$0x3] =	stream.indirect.gather [hbm4b:s2+s6], $0x80, s9, s6, $0xb8;
	[tilespmem:$0x10200] =	vst v63  }
0x37: {  	_ = 	snop  }
0x38: {  	[tilespmem:s12], [sflag:$0x4] =	stream.indirect.gather [hbm4b:s2+s6], $0x80, s11, s6, $0xb8;
	[tilespmem:$0x10200] =	vst v63  }
0x39: {  	_ =	swait.ge [sflag:s13], $0x4000  }
0x3a: {  	[sflag:s13] =	ssyncset.done $0x0  }
0x3b: {  	[sflag:s13] =	ssyncadd.s32 $0xFFFFC000  }
0x3c: {  	[hbm4b:s14+s3] =	stream.linear.scatter [tilespmem:s7], [sflag:$0x5], $0x4000, $0x38;
	[tilespmem:$0x10200] =	vst v63  }
0x3d: {  	_ =	swait.ge [sflag:s15], $0x4000  }
0x3e: {  	[sflag:s15] =	ssyncset.done $0x0  }
0x3f: {  	[sflag:s15] =	ssyncadd.s32 $0xFFFFC000  }
0x40: {  	[hbm4b:s16+s3] =	stream.linear.scatter [tilespmem:s8], [sflag:$0x5], $0x4000, $0x38;
	[tilespmem:$0x10200] =	vst v63  }
0x41: {  	_ =	swait.ge [sflag:s17], $0x4000  }
0x42: {  	[sflag:s17] =	ssyncset.done $0x0  }
0x43: {  	[sflag:s17] =	ssyncadd.s32 $0xFFFFC000  }
0x44: {  	[hbm4b:s18+s3] =	stream.linear.scatter [tilespmem:s10], [sflag:$0x5], $0x4000, $0x38;
	[tilespmem:$0x10200] =	vst v63  }
0x45: {  	_ =	swait.ge [sflag:s19], $0x4000  }
0x46: {  	[sflag:s19] =	ssyncset.done $0x0  }
0x47: {  	[sflag:s19] =	ssyncadd.s32 $0xFFFFC000  }
0x48: {  	[hbm4b:s21+s3] =	stream.linear.scatter [tilespmem:s12], [sflag:$0x5], $0x4000, $0x38;
	[tilespmem:$0x10200] =	vst v63  }
0x49: {  	_ =	swait.ge [sflag:s20], $0x4000  }
0x4a: {  	[sflag:s20] =	ssyncset.done $0x0  }
0x4b: {  	[sflag:s20] =	ssyncadd.s32 $0xFFFFC000  }
0x4c: {  	_ =	swait.ge [sflag:s20], $0x4000  }
0x4d: {  	[sflag:s20] =	ssyncset.done $0x0  }
0x4e: {  	[sflag:s20] =	ssyncadd.s32 $0xFFFFC000  }
.Ltmp1:
0x4f: {  	_ =	swait.ge [sflag:s20], $0x4000;
	(pc) =	sbr.rel @p0 .LBB2_1-.Ltmp1, $4  }
0x50: {  	[sflag:s20] =	ssyncset.done $0x0  }
0x51: {  	[sflag:s20] =	ssyncadd.s32 $0xFFFFC000  }
0x52: {  	_ =	swait.ge [sflag:s20], $0x4000  }
0x53: {  	[sflag:s20] =	ssyncset.done $0x0  }
.LBB2_2:
0x54: {  	[sflag:s20] =	ssyncadd.s32 $0xFFFFC000  }
0x55: {  	_ =	sfence.sel $0x180000  }
0x56: {  	[bflag:$0x0] =	sbarrier.arrive $0xFFFF  }
0x57: {  	p0 =	sne.s32 s0, $0x0;
	_ =	strace $0x90000047  }
0x58: {  	s0 =	sadd.s32 @!p0 $0x100000, s1;
	[bflag:$0x2] =	sbarrier.arrive $0xFFFF  }
0x59: {  	[sflag:s0] =	ssyncadd.tile.s32 @!p0 $0x1;
	_ =	shalt  }
.Lfunc_end2:
_tile_overlayer_lowered:
.L_overlay_start_2:
0x5a: {  	(tag) =	ssettag $0x2  }
0x5b: {  	s0 =	rddreg [dreg:$0x0];
	s2 =	stileid.u32  }
0x5c: {  	s1 =	rddreg [dreg:$0x1];
	p0 =	sne.s32 s2, $0x0  }
0x5d: {  	s3 =	rddreg [dreg:$0x2];
	[bflag:$0x3] =	sbarrier.arrive $0xFFFF;
	s2 =	simm.s32 @!p0 $0x1C06  }
0x5e: {  	[timem:s3], [sflag:s2] =	dma.local @!p0 [hbm:s0], s1  }
0x5f: {  	s0 =	simm.s32 @!p0 $0x6  }
0x60: {  	_ =	swait.ge @!p0 [sflag:s0], s1  }
0x61: {  	s1 =	ssub.s32 @!p0 $0x0, s1;
	[sflag:s0] =	ssyncset.done @!p0 $0x0  }
0x62: {  	[sflag:s0] =	ssyncadd.s32 @!p0 s1  }
0x63: {  	[bflag:$0x3] =	sbarrier.arrive $0xFFFF  }
0x64: {  	_ =	shalt  }

</sc_bundles>
